<compile_context>
chip_gen: v7x
topology: tpu7x:2x2x1
jax: 0.10.2.dev20260603
libtpu: 0.0.44.dev20260713+nightly
codegen_flags: <defaults>
</compile_context>

<pallas_src>
import functools

import jax
import jax.numpy as jnp
from jax.experimental import pallas as pl
from jax.experimental.pallas import tpu as pltpu

_NEGPOS_RATIO = 3
_NP_CHUNKS = 2


def _body(ct_ref, conf_ref, loc_ref, loct_ref,
          out_l_ref, out_c_ref, out_n_ref,
          lc_s, np_s, plc_s, *, num_priors):
    b = pl.program_id(0)
    ip = pl.program_id(1)
    nchunks = pl.num_programs(1)

    @pl.when(jnp.logical_and(b == 0, ip == 0))
    def _():
        out_l_ref[...] = jnp.zeros((1, 1), jnp.float32)
        out_c_ref[...] = jnp.zeros((1, 1), jnp.float32)
        out_n_ref[...] = jnp.zeros((1, 1), jnp.float32)

    @pl.when(ip == 0)
    def _():
        np_s[0] = 0
        plc_s[0] = 0.0

    conf = conf_ref[0, 0]
    ct = ct_ref[0, 0]
    C, PB = conf.shape

    pos = ct > 0
    np_s[0] += jnp.sum(pos.astype(jnp.int32))

    m = jnp.max(conf, axis=0, keepdims=True)
    s = jnp.sum(jnp.exp(conf - m), axis=0, keepdims=True)
    lse = jnp.log(s) + m
    cls = jax.lax.broadcasted_iota(jnp.int32, (C, PB), 0)
    g = jnp.sum(jnp.where(cls == ct, conf, 0.0), axis=0, keepdims=True)
    lc = lse - g

    plc_s[0] += jnp.sum(jnp.where(pos, lc, 0.0))
    lcm = jnp.where(pos, 0.0, jnp.maximum(lc, 0.0))
    lc_s[pl.ds(ip, 1), :] = lcm

    d = loc_ref[0, 0] - loct_ref[0, 0]
    ad = jnp.abs(d)
    sl1 = jnp.where(ad < 1.0, 0.5 * d * d, ad - 0.5)
    posf = pos.astype(jnp.float32)
    out_l_ref[...] += jnp.sum(sl1 * posf, keepdims=True)

    @pl.when(ip == nchunks - 1)
    def _():
        np_row = np_s[0]
        k = jnp.full((1, 1), jnp.minimum(_NEGPOS_RATIO * np_row,
                                         num_priors - 1))
        lcs = lc_s[...]
        bits = jax.lax.bitcast_convert_type(lcs, jnp.int32)

        def step(i, t):
            cand = t | (jnp.int32(1) << (jnp.int32(30) - i))
            cnt = jnp.sum((bits >= cand).astype(jnp.int32), keepdims=True)
            return jnp.where(cnt >= k, cand, t)

        t = jax.lax.fori_loop(0, 31, step, jnp.zeros((1, 1), jnp.int32))
        neg_lc = jnp.sum(jnp.where(bits >= t, lcs, 0.0), keepdims=True)
        out_c_ref[...] += neg_lc + jnp.full((1, 1), plc_s[0])
        out_n_ref[...] += jnp.full((1, 1), np_row.astype(jnp.float32))


@jax.jit
def kernel(arm_loc_data, arm_conf_data, loc_t, conf_t):
    B, P, C = arm_conf_data.shape
    nchunks = _NP_CHUNKS
    PB = P // nchunks
    ct_r = conf_t.reshape(B, nchunks, 1, PB)
    conf_r = arm_conf_data.reshape(B, nchunks, PB, C).transpose(0, 1, 3, 2)
    loc_r = arm_loc_data.reshape(B, nchunks, PB, 4).transpose(0, 1, 3, 2)
    loct_r = loc_t.reshape(B, nchunks, PB, 4).transpose(0, 1, 3, 2)
    body = functools.partial(_body, num_priors=P)
    outs = pl.pallas_call(
        body,
        grid=(B, nchunks),
        in_specs=[
            pl.BlockSpec((1, 1, 1, PB), lambda b, i: (b, i, 0, 0)),
            pl.BlockSpec((1, 1, C, PB), lambda b, i: (b, i, 0, 0)),
            pl.BlockSpec((1, 1, 4, PB), lambda b, i: (b, i, 0, 0)),
            pl.BlockSpec((1, 1, 4, PB), lambda b, i: (b, i, 0, 0)),
        ],
        out_specs=[
            pl.BlockSpec((1, 1), lambda b, i: (0, 0)),
            pl.BlockSpec((1, 1), lambda b, i: (0, 0)),
            pl.BlockSpec((1, 1), lambda b, i: (0, 0)),
        ],
        out_shape=[jax.ShapeDtypeStruct((1, 1), jnp.float32)] * 3,
        scratch_shapes=[
            pltpu.VMEM((nchunks, PB), jnp.float32),
            pltpu.SMEM((1,), jnp.int32),
            pltpu.SMEM((1,), jnp.float32),
        ],
    )(ct_r, conf_r, loc_r, loct_r)
    l, c, n = outs
    nn = n[0, 0]
    return (l[0, 0] / nn, c[0, 0] / nn)

# --- scband reference (transcript-rebuilt; emitter-appended) ---
"""Pipeline reference for scband-refine-det-multi-box-loss-26585847562271 (READ-ONLY COPY).

The authoritative reference and input builder live on the scoring server;
editing this copy changes nothing except your own understanding.
"""

import jax, jax.numpy as jnp
import numpy as np

B, P, C = 32, 16320, 21
NEGPOS_RATIO = 3

def setup_inputs(seed: int = 0):
    key = jax.random.key(seed)
    k1, k2, k3, k4 = jax.random.split(key, 4)
    arm_loc_data = jax.random.normal(k1, (B, P, 4), dtype=jnp.float32)
    arm_conf_data = jax.random.normal(k2, (B, P, C), dtype=jnp.float32)
    loc_t = jax.random.normal(k3, (B, P, 4), dtype=jnp.float32)
    conf_t = jax.random.randint(k4, (B, P), 0, 21, dtype=jnp.int32)
    return {"arm_loc_data": arm_loc_data, "arm_conf_data": arm_conf_data, "loc_t": loc_t, "conf_t": conf_t}

def reference(arm_loc_data, arm_conf_data, loc_t, conf_t):
    num = arm_loc_data.shape[0]
    num_priors = arm_loc_data.shape[1]
    num_classes = arm_conf_data.shape[2]
    # is_ODM=False branch: pos = conf_t > 0
    pos = conf_t > 0
    posf = pos.astype(arm_loc_data.dtype)
    # Localization loss: smooth L1 over positive priors (masked-sum equivalent of boolean gather)
    diff = arm_loc_data - loc_t
    ad = jnp.abs(diff)
    sl1 = jnp.where(ad < 1.0, 0.5 * diff * diff, ad - 0.5)
    loss_l = jnp.sum(sl1 * posf[:, :, None])
    # Hard negative mining: per-prior conf loss = log_sum_exp(x) - x[target]
    batch_conf = arm_conf_data.reshape(-1, num_classes)
    x_max = jnp.max(batch_conf, axis=1, keepdims=True)
    lse = jnp.log(jnp.sum(jnp.exp(batch_conf - x_max), axis=1, keepdims=True)) + x_max
    gathered = jnp.take_along_axis(batch_conf, conf_t.reshape(-1, 1).astype(jnp.int32), axis=1)
    loss_c = (lse - gathered)[:, 0]
    loss_c = jnp.where(pos.reshape(-1), 0.0, loss_c)
    loss_c = loss_c.reshape(num, -1)
    # descending sort + rank (double argsort) to select top num_neg negatives
    loss_idx = jnp.argsort(-loss_c, axis=1)
    idx_rank = jnp.argsort(loss_idx, axis=1)
    num_pos = jnp.sum(pos.astype(jnp.int32), axis=1, keepdims=True)
    num_neg = jnp.clip(NEGPOS_RATIO * num_pos, None, num_priors - 1)
    neg = idx_rank < num_neg
    mask = jnp.logical_or(pos, neg)
    # cross entropy (sum) over selected pos+neg priors
    logp = jax.nn.log_softmax(arm_conf_data, axis=-1)
    ce = -jnp.take_along_axis(logp, conf_t[:, :, None].astype(jnp.int32), axis=2)[:, :, 0]
    loss_c_sum = jnp.sum(ce * mask.astype(ce.dtype))
    N = jnp.sum(num_pos).astype(jnp.float32)
    return (loss_l / N, loss_c_sum / N)

if __name__ == "__main__":
    import jax
    _d = setup_inputs()
    print(jax.jit(kernel)(*tuple(_d.values())))

</pallas_src>

<mosaic_0001>
module attributes {stable_mosaic.version = 14 : i64} {
  func.func @_body(%arg0: i32, %arg1: i32, %arg2: memref<1x1x1x8160xi32, #tpu.memory_space<vmem>>, %arg3: memref<1x1x21x8160xf32, #tpu.memory_space<vmem>>, %arg4: memref<1x1x4x8160xf32, #tpu.memory_space<vmem>>, %arg5: memref<1x1x4x8160xf32, #tpu.memory_space<vmem>>, %arg6: memref<1x1xf32, #tpu.memory_space<vmem>>, %arg7: memref<1x1xf32, #tpu.memory_space<vmem>>, %arg8: memref<1x1xf32, #tpu.memory_space<vmem>>, %arg9: memref<2x8160xf32, #tpu.memory_space<vmem>>, %arg10: memref<1xi32, #tpu.memory_space<smem>>, %arg11: memref<1xf32, #tpu.memory_space<smem>>) attributes {dimension_semantics = [#tpu.dimension_semantics<arbitrary>, #tpu.dimension_semantics<arbitrary>], iteration_bounds = array<i64: 32, 2>, scalar_prefetch = 0 : i64, scratch_operands = 3 : i64, tpu.core_type = #tpu.core_type<tc>, window_params = [{transform_indices = @transform_0, window_bounds = array<i64: 1, 1, 1, 8160>}, {transform_indices = @transform_1, window_bounds = array<i64: 1, 1, 21, 8160>}, {transform_indices = @transform_2, window_bounds = array<i64: 1, 1, 4, 8160>}, {transform_indices = @transform_3, window_bounds = array<i64: 1, 1, 4, 8160>}, {pipeline_mode = #tpu.pipeline_mode<synchronous>, transform_indices = @transform_4, window_bounds = array<i64: 1, 1>}, {pipeline_mode = #tpu.pipeline_mode<synchronous>, transform_indices = @transform_5, window_bounds = array<i64: 1, 1>}, {pipeline_mode = #tpu.pipeline_mode<synchronous>, transform_indices = @transform_6, window_bounds = array<i64: 1, 1>}]} {
    %eq3A = arith.constant 0 : i32
    %eq3A_0 = arith.cmpi eq, %arg0, %eq3A : i32
    %eq3A_1 = arith.constant 0 : i32
    %eq3A_2 = arith.cmpi eq, %arg1, %eq3A_1 : i32
    %and3A = arith.andi %eq3A_0, %eq3A_2 : i1
    %convert_element_type3A = arith.extui %and3A : i1 to i32
    %cond3A = arith.constant 0 : i32
    %cond3A_3 = arith.cmpi ne, %convert_element_type3A, %cond3A : i32
    scf.if %cond3A_3 {
      %broadcast_in_dim3A_108 = arith.constant 0.000000e+00 : f32
      %broadcast_in_dim3A_109 = vector.broadcast %broadcast_in_dim3A_108 : f32 to vector<1x1xf32>
      %swap3A_110 = arith.constant 0 : index
      %swap3A_111 = arith.constant 0 : index
      %swap3A_112 = vector.load %arg6[%swap3A_110, %swap3A_111] : memref<1x1xf32, #tpu.memory_space<vmem>>, vector<1x1xf32>
      tpu.vector_store %arg6[%swap3A_110, %swap3A_111], %broadcast_in_dim3A_109 {strides = array<i32>} : memref<1x1xf32, #tpu.memory_space<vmem>>, vector<1x1xf32>,
      %broadcast_in_dim3A_113 = arith.constant 0.000000e+00 : f32
      %broadcast_in_dim3A_114 = vector.broadcast %broadcast_in_dim3A_113 : f32 to vector<1x1xf32>
      %swap3A_115 = arith.constant 0 : index
      %swap3A_116 = arith.constant 0 : index
      %swap3A_117 = vector.load %arg7[%swap3A_115, %swap3A_116] : memref<1x1xf32, #tpu.memory_space<vmem>>, vector<1x1xf32>
      tpu.vector_store %arg7[%swap3A_115, %swap3A_116], %broadcast_in_dim3A_114 {strides = array<i32>} : memref<1x1xf32, #tpu.memory_space<vmem>>, vector<1x1xf32>,
      %broadcast_in_dim3A_118 = arith.constant 0.000000e+00 : f32
      %broadcast_in_dim3A_119 = vector.broadcast %broadcast_in_dim3A_118 : f32 to vector<1x1xf32>
      %swap3A_120 = arith.constant 0 : index
      %swap3A_121 = arith.constant 0 : index
      %swap3A_122 = vector.load %arg8[%swap3A_120, %swap3A_121] : memref<1x1xf32, #tpu.memory_space<vmem>>, vector<1x1xf32>
      tpu.vector_store %arg8[%swap3A_120, %swap3A_121], %broadcast_in_dim3A_119 {strides = array<i32>} : memref<1x1xf32, #tpu.memory_space<vmem>>, vector<1x1xf32>,
    } else {
    }
    %eq3A_4 = arith.constant 0 : i32
    %eq3A_5 = arith.cmpi eq, %arg1, %eq3A_4 : i32
    %convert_element_type3A_6 = arith.extui %eq3A_5 : i1 to i32
    %cond3A_7 = arith.constant 0 : i32
    %cond3A_8 = arith.cmpi ne, %convert_element_type3A_6, %cond3A_7 : i32
    scf.if %cond3A_8 {
      %swap3A_108 = arith.constant 0 : i32
      %swap3A_109 = arith.constant 0 : index
      %swap3A_110 = memref.load %arg10[%swap3A_109] : memref<1xi32, #tpu.memory_space<smem>>
      memref.store %swap3A_108, %arg10[%swap3A_109] : memref<1xi32, #tpu.memory_space<smem>>
      %swap3A_111 = arith.constant 0.000000e+00 : f32
      %swap3A_112 = arith.constant 0 : index
      %swap3A_113 = memref.load %arg11[%swap3A_112] : memref<1xf32, #tpu.memory_space<smem>>
      memref.store %swap3A_111, %arg11[%swap3A_112] : memref<1xf32, #tpu.memory_space<smem>>
    } else {
    }
    %get3A = arith.constant 0 : index
    %get3A_9 = arith.constant 0 : index
    %get3A_10 = arith.constant 0 : index
    %get3A_11 = arith.constant 0 : index
    %get3A_12 = vector.load %arg3[%get3A, %get3A_9, %get3A_10, %get3A_11] : memref<1x1x21x8160xf32, #tpu.memory_space<vmem>>, vector<1x1x21x8160xf32>
    %get3A_13 = vector.shape_cast %get3A_12 : vector<1x1x21x8160xf32> to vector<21x8160xf32>
    %get3A_14 = arith.constant 0 : index
    %get3A_15 = arith.constant 0 : index
    %get3A_16 = arith.constant 0 : index
    %get3A_17 = arith.constant 0 : index
    %get3A_18 = vector.load %arg2[%get3A_14, %get3A_15, %get3A_16, %get3A_17] : memref<1x1x1x8160xi32, #tpu.memory_space<vmem>>, vector<1x1x1x8160xi32>
    %get3A_19 = vector.shape_cast %get3A_18 : vector<1x1x1x8160xi32> to vector<1x8160xi32>
    %gt3A = arith.constant 0 : i32
    %gt3A_20 = vector.broadcast %gt3A : i32 to vector<1x8160xi32>
    %gt3A_21 = arith.cmpi sgt, %get3A_19, %gt3A_20 : vector<1x8160xi32>
    %get3A_22 = arith.constant 0 : index
    %get3A_23 = memref.load %arg10[%get3A_22] : memref<1xi32, #tpu.memory_space<smem>>
    %convert_element_type3A_24 = arith.extui %gt3A_21 : vector<1x8160xi1> to vector<1x8160xi32>
    %reduce_sum3A = vector.shape_cast %convert_element_type3A_24 : vector<1x8160xi32> to vector<1x1x8160xi32>
    %reduce_sum3A_25 = arith.constant dense<0> : vector<1xi32>
    %reduce_sum3A_26 = vector.multi_reduction <add>, %reduce_sum3A, %reduce_sum3A_25 [1, 2] : vector<1x1x8160xi32> to vector<1xi32>
    %reduce_sum3A_27 = vector.shape_cast %reduce_sum3A_26 : vector<1xi32> to vector<1x1x1xi32>
    %reduce_sum3A_28 = vector.extract %reduce_sum3A_27[0, 0, 0] : i32 from vector<1x1x1xi32>
    %add3A = arith.addi %get3A_23, %reduce_sum3A_28 : i32
    %swap3A = arith.constant 0 : index
    %swap3A_29 = memref.load %arg10[%swap3A] : memref<1xi32, #tpu.memory_space<smem>>
    memref.store %add3A, %arg10[%swap3A] : memref<1xi32, #tpu.memory_space<smem>>
    %reduce_max3A = arith.constant dense<0xFF800000> : vector<8160xf32>
    %reduce_max3A_30 = vector.multi_reduction <maximumf>, %get3A_13, %reduce_max3A [0] : vector<21x8160xf32> to vector<8160xf32>
    %broadcast_in_dim3A = vector.shape_cast %reduce_max3A_30 : vector<8160xf32> to vector<1x8160xf32>
    %sub3A = vector.broadcast %broadcast_in_dim3A : vector<1x8160xf32> to vector<21x8160xf32>
    %sub3A_31 = arith.subf %get3A_13, %sub3A : vector<21x8160xf32>
    %exp3A = math.exp %sub3A_31 : vector<21x8160xf32>
    %reduce_sum3A_32 = arith.constant dense<0.000000e+00> : vector<8160xf32>
    %reduce_sum3A_33 = vector.multi_reduction <add>, %exp3A, %reduce_sum3A_32 [0] : vector<21x8160xf32> to vector<8160xf32>
    %broadcast_in_dim3A_34 = vector.shape_cast %reduce_sum3A_33 : vector<8160xf32> to vector<1x8160xf32>
    %log3A = math.log %broadcast_in_dim3A_34 : vector<1x8160xf32>
    %add3A_35 = arith.addf %log3A, %broadcast_in_dim3A : vector<1x8160xf32>
    %iota3A = tpu.iota {dimensions = array<i32: 0>} : vector<21x8160xi32>
    %eq3A_36 = vector.broadcast %get3A_19 : vector<1x8160xi32> to vector<21x8160xi32>
    %eq3A_37 = arith.cmpi eq, %iota3A, %eq3A_36 : vector<21x8160xi32>
    %jit3A = arith.constant 0.000000e+00 : f32
    %broadcast_in_dim3A_38 = vector.broadcast %jit3A : f32 to vector<21x8160xf32>
    %select_n3A = arith.select %eq3A_37, %get3A_13, %broadcast_in_dim3A_38 : vector<21x8160xi1>, vector<21x8160xf32>
    %reduce_sum3A_39 = arith.constant dense<0.000000e+00> : vector<8160xf32>
    %reduce_sum3A_40 = vector.multi_reduction <add>, %select_n3A, %reduce_sum3A_39 [0] : vector<21x8160xf32> to vector<8160xf32>
    %broadcast_in_dim3A_41 = vector.shape_cast %reduce_sum3A_40 : vector<8160xf32> to vector<1x8160xf32>
    %sub3A_42 = arith.subf %add3A_35, %broadcast_in_dim3A_41 : vector<1x8160xf32>
    %get3A_43 = arith.constant 0 : index
    %get3A_44 = memref.load %arg11[%get3A_43] : memref<1xf32, #tpu.memory_space<smem>>
    %jit3A_45 = arith.constant 0.000000e+00 : f32
    %broadcast_in_dim3A_46 = vector.broadcast %jit3A_45 : f32 to vector<1x8160xf32>
    %select_n3A_47 = arith.select %gt3A_21, %sub3A_42, %broadcast_in_dim3A_46 : vector<1x8160xi1>, vector<1x8160xf32>
    %reduce_sum3A_48 = vector.shape_cast %select_n3A_47 : vector<1x8160xf32> to vector<1x1x8160xf32>
    %reduce_sum3A_49 = arith.constant dense<0.000000e+00> : vector<1xf32>
    %reduce_sum3A_50 = vector.multi_reduction <add>, %reduce_sum3A_48, %reduce_sum3A_49 [1, 2] : vector<1x1x8160xf32> to vector<1xf32>
    %reduce_sum3A_51 = vector.shape_cast %reduce_sum3A_50 : vector<1xf32> to vector<1x1x1xf32>
    %reduce_sum3A_52 = vector.extract %reduce_sum3A_51[0, 0, 0] : f32 from vector<1x1x1xf32>
    %add3A_53 = arith.addf %get3A_44, %reduce_sum3A_52 : f32
    %swap3A_54 = arith.constant 0 : index
    %swap3A_55 = memref.load %arg11[%swap3A_54] : memref<1xf32, #tpu.memory_space<smem>>
    memref.store %add3A_53, %arg11[%swap3A_54] : memref<1xf32, #tpu.memory_space<smem>>
    %max3A = arith.constant 0.000000e+00 : f32
    %max3A_56 = vector.broadcast %max3A : f32 to vector<1x8160xf32>
    %max3A_57 = arith.maximumf %sub3A_42, %max3A_56 : vector<1x8160xf32>
    %jit3A_58 = arith.constant 0.000000e+00 : f32
    %broadcast_in_dim3A_59 = vector.broadcast %jit3A_58 : f32 to vector<1x8160xf32>
    %select_n3A_60 = arith.select %gt3A_21, %broadcast_in_dim3A_59, %max3A_57 : vector<1x8160xi1>, vector<1x8160xf32>
    %swap3A_61 = arith.index_cast %arg1 : i32 to index
    %swap3A_62 = arith.constant 0 : index
    %swap3A_63 = vector.load %arg9[%swap3A_61, %swap3A_62] : memref<2x8160xf32, #tpu.memory_space<vmem>>, vector<1x8160xf32>
    tpu.vector_store %arg9[%swap3A_61, %swap3A_62], %select_n3A_60 {strides = array<i32>} : memref<2x8160xf32, #tpu.memory_space<vmem>>, vector<1x8160xf32>,
    %get3A_64 = arith.constant 0 : index
    %get3A_65 = arith.constant 0 : index
    %get3A_66 = arith.constant 0 : index
    %get3A_67 = arith.constant 0 : index
    %get3A_68 = vector.load %arg4[%get3A_64, %get3A_65, %get3A_66, %get3A_67] : memref<1x1x4x8160xf32, #tpu.memory_space<vmem>>, vector<1x1x4x8160xf32>
    %get3A_69 = vector.shape_cast %get3A_68 : vector<1x1x4x8160xf32> to vector<4x8160xf32>
    %get3A_70 = arith.constant 0 : index
    %get3A_71 = arith.constant 0 : index
    %get3A_72 = arith.constant 0 : index
    %get3A_73 = arith.constant 0 : index
    %get3A_74 = vector.load %arg5[%get3A_70, %get3A_71, %get3A_72, %get3A_73] : memref<1x1x4x8160xf32, #tpu.memory_space<vmem>>, vector<1x1x4x8160xf32>
    %get3A_75 = vector.shape_cast %get3A_74 : vector<1x1x4x8160xf32> to vector<4x8160xf32>
    %sub3A_76 = arith.subf %get3A_69, %get3A_75 : vector<4x8160xf32>
    %abs3A = math.absf %sub3A_76 : vector<4x8160xf32>
    %lt3A = arith.constant 1.000000e+00 : f32
    %lt3A_77 = vector.broadcast %lt3A : f32 to vector<4x8160xf32>
    %lt3A_78 = arith.cmpf olt, %abs3A, %lt3A_77 : vector<4x8160xf32>
    %mul3A = arith.constant 5.000000e-01 : f32
    %mul3A_79 = vector.broadcast %mul3A : f32 to vector<4x8160xf32>
    %mul3A_80 = arith.mulf %mul3A_79, %sub3A_76 : vector<4x8160xf32>
    %mul3A_81 = arith.mulf %mul3A_80, %sub3A_76 : vector<4x8160xf32>
    %sub3A_82 = arith.constant 5.000000e-01 : f32
    %sub3A_83 = vector.broadcast %sub3A_82 : f32 to vector<4x8160xf32>
    %sub3A_84 = arith.subf %abs3A, %sub3A_83 : vector<4x8160xf32>
    %select_n3A_85 = arith.select %lt3A_78, %mul3A_81, %sub3A_84 : vector<4x8160xi1>, vector<4x8160xf32>
    %convert_element_type3A_86 = arith.extui %gt3A_21 : vector<1x8160xi1> to vector<1x8160xi32>
    %convert_element_type3A_87 = arith.sitofp %convert_element_type3A_86 : vector<1x8160xi32> to vector<1x8160xf32>
    %get3A_88 = arith.constant 0 : index
    %get3A_89 = arith.constant 0 : index
    %get3A_90 = vector.load %arg6[%get3A_88, %get3A_89] : memref<1x1xf32, #tpu.memory_space<vmem>>, vector<1x1xf32>
    %mul3A_91 = vector.broadcast %convert_element_type3A_87 : vector<1x8160xf32> to vector<4x8160xf32>
    %mul3A_92 = arith.mulf %select_n3A_85, %mul3A_91 : vector<4x8160xf32>
    %reduce_sum3A_93 = vector.shape_cast %mul3A_92 : vector<4x8160xf32> to vector<1x4x8160xf32>
    %reduce_sum3A_94 = arith.constant dense<0.000000e+00> : vector<1xf32>
    %reduce_sum3A_95 = vector.multi_reduction <add>, %reduce_sum3A_93, %reduce_sum3A_94 [1, 2] : vector<1x4x8160xf32> to vector<1xf32>
    %reduce_sum3A_96 = vector.shape_cast %reduce_sum3A_95 : vector<1xf32> to vector<1x1x1xf32>
    %reduce_sum3A_97 = vector.extract %reduce_sum3A_96[0, 0, 0] : f32 from vector<1x1x1xf32>
    %broadcast_in_dim3A_98 = vector.broadcast %reduce_sum3A_97 : f32 to vector<1x1xf32>
    %add3A_99 = arith.addf %get3A_90, %broadcast_in_dim3A_98 : vector<1x1xf32>
    %swap3A_100 = arith.constant 0 : index
    %swap3A_101 = arith.constant 0 : index
    %swap3A_102 = vector.load %arg6[%swap3A_100, %swap3A_101] : memref<1x1xf32, #tpu.memory_space<vmem>>, vector<1x1xf32>
    tpu.vector_store %arg6[%swap3A_100, %swap3A_101], %add3A_99 {strides = array<i32>} : memref<1x1xf32, #tpu.memory_space<vmem>>, vector<1x1xf32>,
    %eq3A_103 = arith.constant 1 : i32
    %eq3A_104 = arith.cmpi eq, %arg1, %eq3A_103 : i32
    %convert_element_type3A_105 = arith.extui %eq3A_104 : i1 to i32
    %cond3A_106 = arith.constant 0 : i32
    %cond3A_107 = arith.cmpi ne, %convert_element_type3A_105, %cond3A_106 : i32
    scf.if %cond3A_107 {
      %get3A_108 = arith.constant 0 : index
      %get3A_109 = memref.load %arg10[%get3A_108] : memref<1xi32, #tpu.memory_space<smem>>
      %mul3A_110 = arith.constant 3 : i32
      %mul3A_111 = arith.muli %mul3A_110, %get3A_109 : i32
      %min3A = arith.constant 16319 : i32
      %min3A_112 = arith.minsi %mul3A_111, %min3A : i32
      %broadcast_in_dim3A_113 = vector.broadcast %min3A_112 : i32 to vector<1x1xi32>
      %get3A_114 = arith.constant 0 : index
      %get3A_115 = arith.constant 0 : index
      %get3A_116 = vector.load %arg9[%get3A_114, %get3A_115] : memref<2x8160xf32, #tpu.memory_space<vmem>>, vector<2x8160xf32>
      %bitcast_convert_type3A = tpu.bitcast %get3A_116 : vector<2x8160xf32> -> vector<2x8160xi32>
      %broadcast_in_dim3A_117 = arith.constant 0 : i32
      %broadcast_in_dim3A_118 = vector.broadcast %broadcast_in_dim3A_117 : i32 to vector<1x1xi32>
      %scan3A = arith.constant 0 : i32
      %scan3A_119 = arith.constant 31 : i32
      %scan3A_120 = arith.addi %scan3A, %scan3A_119 : i32
      %scan3A_121 = arith.constant 1 : i32
      %scan3A_122 = scf.for %scan3A_154 = %scan3A to %scan3A_120 step %scan3A_121 iter_args(%scan3A_155 = %broadcast_in_dim3A_118) -> (vector<1x1xi32>)  : i32 {
        %sub3A_156 = arith.constant 30 : i32
        %sub3A_157 = arith.subi %sub3A_156, %scan3A_154 : i32
        %shift_left3A = arith.constant 1 : i32
        %shift_left3A_158 = arith.shli %shift_left3A, %sub3A_157 : i32
        %or3A = vector.broadcast %shift_left3A_158 : i32 to vector<1x1xi32>
        %or3A_159 = arith.ori %scan3A_155, %or3A : vector<1x1xi32>
        %ge3A_160 = vector.broadcast %or3A_159 : vector<1x1xi32> to vector<2x8160xi32>
        %ge3A_161 = arith.cmpi sge, %bitcast_convert_type3A, %ge3A_160 : vector<2x8160xi32>
        %convert_element_type3A_162 = arith.extui %ge3A_161 : vector<2x8160xi1> to vector<2x8160xi32>
        %reduce_sum3A_163 = vector.shape_cast %convert_element_type3A_162 : vector<2x8160xi32> to vector<1x2x8160xi32>
        %reduce_sum3A_164 = arith.constant dense<0> : vector<1xi32>
        %reduce_sum3A_165 = vector.multi_reduction <add>, %reduce_sum3A_163, %reduce_sum3A_164 [1, 2] : vector<1x2x8160xi32> to vector<1xi32>
        %reduce_sum3A_166 = vector.shape_cast %reduce_sum3A_165 : vector<1xi32> to vector<1x1x1xi32>
        %reduce_sum3A_167 = vector.extract %reduce_sum3A_166[0, 0, 0] : i32 from vector<1x1x1xi32>
        %broadcast_in_dim3A_168 = vector.broadcast %reduce_sum3A_167 : i32 to vector<1x1xi32>
        %ge3A_169 = arith.cmpi sge, %broadcast_in_dim3A_168, %broadcast_in_dim3A_113 : vector<1x1xi32>
        %select_n3A_170 = arith.select %ge3A_169, %or3A_159, %scan3A_155 : vector<1x1xi1>, vector<1x1xi32>
        scf.yield %select_n3A_170 : vector<1x1xi32>
      }
      %scan3A_123 = arith.constant 31 : i32
      %ge3A = vector.broadcast %scan3A_122 : vector<1x1xi32> to vector<2x8160xi32>
      %ge3A_124 = arith.cmpi sge, %bitcast_convert_type3A, %ge3A : vector<2x8160xi32>
      %jit3A_125 = arith.constant 0.000000e+00 : f32
      %broadcast_in_dim3A_126 = vector.broadcast %jit3A_125 : f32 to vector<2x8160xf32>
      %select_n3A_127 = arith.select %ge3A_124, %get3A_116, %broadcast_in_dim3A_126 : vector<2x8160xi1>, vector<2x8160xf32>
      %reduce_sum3A_128 = vector.shape_cast %select_n3A_127 : vector<2x8160xf32> to vector<1x2x8160xf32>
      %reduce_sum3A_129 = arith.constant dense<0.000000e+00> : vector<1xf32>
      %reduce_sum3A_130 = vector.multi_reduction <add>, %reduce_sum3A_128, %reduce_sum3A_129 [1, 2] : vector<1x2x8160xf32> to vector<1xf32>
      %reduce_sum3A_131 = vector.shape_cast %reduce_sum3A_130 : vector<1xf32> to vector<1x1x1xf32>
      %reduce_sum3A_132 = vector.extract %reduce_sum3A_131[0, 0, 0] : f32 from vector<1x1x1xf32>
      %broadcast_in_dim3A_133 = vector.broadcast %reduce_sum3A_132 : f32 to vector<1x1xf32>
      %get3A_134 = arith.constant 0 : index
      %get3A_135 = arith.constant 0 : index
      %get3A_136 = vector.load %arg7[%get3A_134, %get3A_135] : memref<1x1xf32, #tpu.memory_space<vmem>>, vector<1x1xf32>
      %get3A_137 = arith.constant 0 : index
      %get3A_138 = memref.load %arg11[%get3A_137] : memref<1xf32, #tpu.memory_space<smem>>
      %broadcast_in_dim3A_139 = vector.broadcast %get3A_138 : f32 to vector<1x1xf32>
      %add3A_140 = arith.addf %broadcast_in_dim3A_133, %broadcast_in_dim3A_139 : vector<1x1xf32>
      %add3A_141 = arith.addf %get3A_136, %add3A_140 : vector<1x1xf32>
      %swap3A_142 = arith.constant 0 : index
      %swap3A_143 = arith.constant 0 : index
      %swap3A_144 = vector.load %arg7[%swap3A_142, %swap3A_143] : memref<1x1xf32, #tpu.memory_space<vmem>>, vector<1x1xf32>
      tpu.vector_store %arg7[%swap3A_142, %swap3A_143], %add3A_141 {strides = array<i32>} : memref<1x1xf32, #tpu.memory_space<vmem>>, vector<1x1xf32>,
      %get3A_145 = arith.constant 0 : index
      %get3A_146 = arith.constant 0 : index
      %get3A_147 = vector.load %arg8[%get3A_145, %get3A_146] : memref<1x1xf32, #tpu.memory_space<vmem>>, vector<1x1xf32>
      %convert_element_type3A_148 = arith.sitofp %get3A_109 : i32 to f32
      %broadcast_in_dim3A_149 = vector.broadcast %convert_element_type3A_148 : f32 to vector<1x1xf32>
      %add3A_150 = arith.addf %get3A_147, %broadcast_in_dim3A_149 : vector<1x1xf32>
      %swap3A_151 = arith.constant 0 : index
      %swap3A_152 = arith.constant 0 : index
      %swap3A_153 = vector.load %arg8[%swap3A_151, %swap3A_152] : memref<1x1xf32, #tpu.memory_space<vmem>>, vector<1x1xf32>
      tpu.vector_store %arg8[%swap3A_151, %swap3A_152], %add3A_150 {strides = array<i32>} : memref<1x1xf32, #tpu.memory_space<vmem>>, vector<1x1xf32>,
    } else {
    }
    return
  }
  func.func @transform_0(%arg0: i32, %arg1: i32) -> (i32, i32, i32, i32) {
    %c0_i32 = arith.constant 0 : i32
    %c0_i32_0 = arith.constant 0 : i32
    %c0_i32_1 = arith.constant 0 : i32
    return %arg0, %arg1, %c0_i32, %c0_i32_0 : i32, i32, i32, i32
  }
  func.func @transform_1(%arg0: i32, %arg1: i32) -> (i32, i32, i32, i32) {
    %c0_i32 = arith.constant 0 : i32
    %c0_i32_0 = arith.constant 0 : i32
    %c0_i32_1 = arith.constant 0 : i32
    return %arg0, %arg1, %c0_i32, %c0_i32_0 : i32, i32, i32, i32
  }
  func.func @transform_2(%arg0: i32, %arg1: i32) -> (i32, i32, i32, i32) {
    %c0_i32 = arith.constant 0 : i32
    %c0_i32_0 = arith.constant 0 : i32
    %c0_i32_1 = arith.constant 0 : i32
    return %arg0, %arg1, %c0_i32, %c0_i32_0 : i32, i32, i32, i32
  }
  func.func @transform_3(%arg0: i32, %arg1: i32) -> (i32, i32, i32, i32) {
    %c0_i32 = arith.constant 0 : i32
    %c0_i32_0 = arith.constant 0 : i32
    %c0_i32_1 = arith.constant 0 : i32
    return %arg0, %arg1, %c0_i32, %c0_i32_0 : i32, i32, i32, i32
  }
  func.func @transform_4(%arg0: i32, %arg1: i32) -> (i32, i32) {
    %c0_i32 = arith.constant 0 : i32
    %c0_i32_0 = arith.constant 0 : i32
    %c0_i32_1 = arith.constant 0 : i32
    return %c0_i32, %c0_i32_0 : i32, i32
  }
  func.func @transform_5(%arg0: i32, %arg1: i32) -> (i32, i32) {
    %c0_i32 = arith.constant 0 : i32
    %c0_i32_0 = arith.constant 0 : i32
    %c0_i32_1 = arith.constant 0 : i32
    return %c0_i32, %c0_i32_0 : i32, i32
  }
  func.func @transform_6(%arg0: i32, %arg1: i32) -> (i32, i32) {
    %c0_i32 = arith.constant 0 : i32
    %c0_i32_0 = arith.constant 0 : i32
    %c0_i32_1 = arith.constant 0 : i32
    return %c0_i32, %c0_i32_0 : i32, i32
  }
}

</mosaic_0001>

<sc_bundles>
// kernel: sparse-core-data-format-call.cloned.1.call-start
scs
called_computation_lowered:
.L_overlay_start_0:
0x0: {  	s1 =	sld [smem:$0x3FD9]  }
0x1: {  	s2 =	sld [smem:$0x3FFE];
	_ =	sdelay $0x1  }
0x2: {  	s3 =	srdreg.scid  }
0x3: {  	s0 =	sand.u32 $0x1, s3  }
0x4: {  	s17 =	sshll.u32 s0, $0xA;
	s1 =	sadd.s32 s2, s1  }
0x5: {  	s1 =	sadd.s32 s1, s17  }
0x6: {  	[smem:$0x3FC4] =	sst s1  }
0x7: {  	_ = 	snop  }
0x8: {  	(tm) =	ssettm $0x1  }
0x9: {  	s18 =	sld [smem:$0x3FFB];
	_ =	sdelay $0x3  }
0xa: {  	_ =	strace s18  }
0xb: {  	s1 =	sld [smem:$0x3FFC];
	_ =	sdelay $0x3  }
0xc: {  	_ =	strace s1  }
0xd: {  	s1 =	sld [smem:$0x3FFD];
	_ =	sdelay $0x3  }
0xe: {  	_ =	strace s1  }
0xf: {  	_ =	strace $0x8FFFFFFF  }
0x10: {  	s19 =	sld [smem:$0x3FDB];
	_ =	sdelay $0x1  }
0x11: {  	s20 =	simm.s32 $_scs_section_size  }
0x12: {  	s4 =	simm.s32 $_size__tile_overlayer_lowered;
	s5 =	simm.s32 $_tile_overlayer_lowered  }
0x13: {  	s23 =	simm.s32 $0x1BFF;
	s22 =	sshll.u32 s5, $0x1;
	s1 =	sadd.s32 s20, s19  }
0x14: {  	s6 =	simm.s32 $0x0;
	s21 =	sshll.u32 s4, $0x1;
	s4 =	sadd.s32 s22, s1  }
0x15: {  	[timem:s6], [sflag:s23] =	dma.local [hbm:s4], s21  }
0x16: {  	_ =	swait.ge [sflag:s23], s21  }
0x17: {  	s2 =	ssub.s32 $0x0, s21;
	[sflag:s23] =	ssyncset.done $0x0  }
0x18: {  	[sflag:s23] =	ssyncadd.s32 s2;
	_ =	sdelay $0x1  }
0x19: {  	s24 =	simm.s32 $0x1B8B  }
0x1a: {  	_ =	swait.ge [sflag:s24], $0x1  }
0x1b: {  	[sflag:s24] =	ssyncset.done $0x0  }
0x1c: {  	s26 =	simm.s32 $0x1B8E;
	s25 =	sld [smem:$0x3FFE];
	[sflag:s24] =	ssyncadd.s32 $0xFFFFFFFF  }
0x1d: {  	s27 =	simm.s32 $execute0_lowered;
	[smem:$0x3FD2] =	sst s26  }
0x1e: {  	s4 =	sshll.u32 s27, $0x1;
	_ =	strace $0x80000046;
	[dreg:$0x1] =	wrdreg $0xFFFFFFFF  }
0x1f: {  	s28 =	simm.s32 $_size_execute0_lowered;
	s1 =	sadd.s32 s1, s4;
	[dreg:$0x0] =	wrdreg $0x0  }
0x20: {  	s4 =	sshll.u32 s28, $0x1;
	[dreg:$0x2] =	wrdreg s1  }
0x21: {  	[dreg:$0x3] =	wrdreg s4  }
0x22: {  	[dreg:$0x4] =	wrdreg $0xC0  }
0x23: {  	_ =	task [dreg:s6], $0x5FFFF  }
0x24: {  	[dreg:$0x1] =	wrdreg $0xFFFFFFFF  }
0x25: {  	[dreg:$0x0] =	wrdreg $0x60  }
0x26: {  	[dreg:$0x2] =	wrdreg s25  }
0x27: {  	[dreg:$0x3] =	wrdreg $0x9  }
0x28: {  	_ =	task.clear_ibuf [dreg:s6], $0x4FFFF;
	_ =	strace $0x90000046  }
0x29: {  	s29 =	simm.s32 $0x9;
	_ =	strace $0x80000048  }
0x2a: {  	_ =	swait.ge [sflag:s29], $0x1  }
0x2b: {  	[sflag:s29] =	ssyncadd.s32 $0xFFFFFFFF  }
0x2c: {  	_ =	strace $0x90000048  }
0x2d: {  	_ =	sfence  }
0x2e: {  	s30 =	sld [smem:$0x0];
	_ =	sdelay $0x2  }
0x2f: {  	s31 =	sshll.u32 s3, $0xD;
	s3 =	sshrl.u32 s3, $0x2  }
0x30: {  	s2 =	sand.u32 $0x4000, s31;
	s1 =	sadd.s32 s3, s30  }
0x31: {  	s0 =	sor.u32 s2, s0;
	s1 =	sshll.u32 s1, $0x11  }
0x32: {  	s0 =	sor.u32 s1, s0  }
0x33: {  	s0 =	sadd.s32 $0x8F2B, s0  }
0x34: {  	[sflag:s0] =	ssyncadd.remote.s32 $0x1  }
0x35: {  	_ =	sfence.sel $0xFFFF  }
0x36: {  	[dreg:$0x0] =	wrdreg $0xFFFFFFFF;
	(pc) =	sbr.abs _section_cstart, $3  }
0x37: {  	[dreg:$0x1] =	wrdreg $0xFFFFFFFF  }
0x38: {  	_ =	task.clear_ibuf [dreg:s6], $0x2FFFF;
	_ =	strace $0x9FFFFFFF  }
0x39: {  	(tm) =	ssettm $0x7FFFFFFF  }
tec
execute0_lowered:
.L_overlay_start_1:
0x0: {  	(tag) =	ssettag $0x1  }
0x1: {  	s4 =	rddreg [dreg:$0x0]  }
0x2: {  	s0 =	rddreg [dreg:$0x1]  }
0x3: {  	s1 =	srdreg.scid;
	_ =	strace $0x80000047;
	s6 =	simm.s32 $0x2  }
0x4: {  	s12 =	simm.s32 $0x0;
	s13 =	simm.s32 $0x0;
	s14 =	simm.s32 $0x0  }
0x5: {  	s15 =	simm.s32 $0x0;
	s8 =	simm.s32 $0x0;
	s10 =	simm.s32 $0x0  }
.Ltmp0:
0x6: {  	s11 =	simm.s32 $0x0;
	s3 =	sshll.u32 s1, $0x4;
	(pc) =	sbr.rel .LBB1_1-.Ltmp0, $4  }
0x7: {  	s7 =	simm.s32 $0x0;
	s1 =	stileid.u32;
	s5 =	sand.u32 $0x10, s3  }
0x8: {  	s2 =	sadd.s32 $0x1A00, s4;
	s3 =	simm.s32 $0x1;
	s5 =	sor.u32 s1, s5  }
0x9: {  	s4 =	sadd.s32 $0x151A00, s4;
	[sflag:s3] =	ssyncpa.u1 $0x0;
	s5 =	sshll.u32 s5, $0x7  }
0xa: {  	[sflag:s6] =	ssyncpa.u1 $0x0;
	s6 =	simm.s32 $0x30000;
	s9 =	smov.u32 s5  }
.LBB1_9:
0xb: {  	s16 =	sadd.s32 $0x1000, s9  }
0xc: {  	s12 =	sadd.s32 $0x2, s8;
	s17 =	smov.u32 s8;
	p1 =	sgt.s32 s16, $0x1FDF  }
0xd: {  	s17 =	smov.u32 @p1 s12  }
0xe: {  	s18 =	smov.u32 s10;
	s12 =	sadd.s32 $0x20, s10;
	p2 =	sgt.s32 s17, $0x1  }
0xf: {  	s18 =	smov.u32 @p2 s12  }
0x10: {  	s19 =	smov.u32 s11;
	s12 =	sadd.s32 $0x2, s11;
	p3 =	sgt.s32 s18, $0x1F  }
0x11: {  	p0 =	slt.u32 s7, $0x2;
	s19 =	smov.u32 @p3 s12  }
0x12: {  	s7 =	sadd.s32 $0x1, s7;
	s16 =	smov.u32 @p1 s5;
	p1 =	sgt.s32 s19, $0x14  }
0x13: {  	s20 =	simm.s32 @!p0 $0x2;
	s19 =	simm.s32 @p1 $0x0;
	p1 =	sne.s32 s7, $0x18  }
.Ltmp1:
0x14: {  	_ =	swait.ge @!p0 [sflag:s20], $0x4000;
	(pc) =	sbr.rel @!p1 .LBB1_10-.Ltmp1, $4  }
0x15: {  	s13 =	smov.u32 s8;
	s14 =	smov.u32 s10;
	[sflag:s20] =	ssyncset.done @!p0 $0x0  }
0x16: {  	s15 =	smov.u32 s11;
	s17 =	simm.s32 @p2 $0x0;
	[sflag:s20] =	ssyncadd.s32 @!p0 $0xFFFFC000  }
0x17: {  	s8 =	smov.u32 s17;
	s18 =	simm.s32 @p3 $0x0;
	s12 =	smov.u32 s9  }
0x18: {  	s9 =	smov.u32 s16;
	s10 =	smov.u32 s18;
	s11 =	smov.u32 s19  }
.LBB1_1:
0x19: {  	p0 =	sgt.u32 s7, $0x15  }
0x1a: {  	p1 =	sgt.s32 @!p0 s11, $0x13  }
0x1b: {  	s16 =	smov.u32 s11;
	s17 =	sshra.s32 @!p0 s11, $0x1F;
	p1 =	por !p1, p0  }
0x1c: {  	s17 =	sand.u32 @!p0 s17, s11;
	s16 =	simm.s32 @p1 $0x13  }
0x1d: {  	s20 =	smov.u32 s9;
	s18 =	ssub.s32 @!p0 $0x0, s10;
	s16 =	ssub.s32 @!p0 s16, s17  }
0x1e: {  	s19 =	ssub.s32 @!p0 $0x0, s8;
	s21 =	sshra.s32 @!p0 s9, $0x1F;
	s17 =	sadd.s32 @!p0 $0xFFFFFFED, s16  }
0x1f: {  	s19 =	smin.u32 @!p0 s8, s19;
	p1 =	sgt.s32 @!p0 s17, $0x1;
	s17 =	smin.u32 @!p0 s10, s18  }
0x20: {  	s16 =	ssub.s32 @!p0 $0x15, s16;
	p1 =	por !p1, p0;
	p2 =	sgt.s32 @!p0 s17, $0x1F  }
0x21: {  	s17 =	ssub.s32 @!p0 $0x20, s17;
	s16 =	simm.s32 @!p1 $0x0;
	p1 =	por !p2, p0  }
0x22: {  	s18 =	sxor.u32 @!p0 $0xFFFFFFFF, s7;
	s17 =	simm.s32 @!p1 $0x0;
	p1 =	sgt.s32 @!p0 s9, $0x1F80  }
0x23: {  	s21 =	sand.u32 @!p0 s21, s9;
	s18 =	sshll.u32 @!p0 s18, $0xE;
	p1 =	por !p1, p0  }
0x24: {  	s16 =	smul.u32 @!p0 s17, s16;
	s20 =	simm.s32 @p1 $0x1F80;
	p1 =	sgt.s32 @!p0 s19, $0x1  }
0x25: {  	s19 =	ssub.s32 @!p0 $0x2, s19;
	s17 =	ssub.s32 @!p0 s20, s21;
	p1 =	por !p1, p0  }
0x26: {  	s20 =	sadd.s32 @!p0 $0xFFFFE080, s17;
	s19 =	simm.s32 @!p1 $0x0;
	s17 =	ssub.s32 @!p0 $0x2000, s17  }
0x27: {  	p1 =	sgt.s32 @!p0 s20, $0x7F;
	s16 =	smul.u32 @!p0 s19, s16;
	s20 =	sshll.u32 @!p0 s8, $0x7  }
0x28: {  	s19 =	sand.u32 @!p0 $0x78, s9;
	p1 =	por !p1, p0;
	s20 =	sand.u32 @!p0 $0x80, s20  }
0x29: {  	s21 =	sshll.u32 @!p0 s9, $0x1;
	s17 =	simm.s32 @!p1 $0x0;
	s19 =	sor.u32 @!p0 s20, s19  }
0x2a: {  	s16 =	smul.u32 @!p0 s17, s16;
	s17 =	sand.u32 @!p0 $0x4000, s18;
	s18 =	sand.u32 @!p0 $0x1F00, s21  }
0x2b: {  	s21 =	sshrl.u32 @!p0 s9, $0x2;
	s18 =	sor.u32 @!p0 s18, s19;
	s19 =	sshll.u32 @!p0 s11, $0x10  }
0x2c: {  	s20 =	sshll.u32 @!p0 s10, $0xB;
	s21 =	sand.u32 @!p0 $0x400, s21;
	s19 =	sadd.s32 @!p0 s2, s19  }
0x2d: {  	s16 =	sand.u32 @!p0 $0x3FFFFFFF, s16;
	s19 =	sadd.s32 @!p0 s20, s19;
	s20 =	sand.u32 @!p0 $0x7, s9  }
0x2e: {  	s18 =	sshrl.u32 @!p0 s18, $0x3;
	s19 =	sadd.s32 @!p0 s21, s19;
	s20 =	sshll.u32 @!p0 s20, $0x12  }
0x2f: {  	s18 =	sadd.s32 @!p0 s18, s19;
	s19 =	sor.u32 @!p0 $0x100, s20;
	s20 =	simm.s32 @!p0 $0x4000  }
0x30: {  	[tilespmem:s17], [sflag:$0x1] =	stream.strided.gather @!p0 [hbm4b:s18+s19], s16, s20, s19, $0x38;
	[tilespmem:$0x10000] =	vst v63  }
0x31: {  	p0 =	seq.s32 s7, $0x0  }
0x32: {  	p1 =	seq.s32 @!p0 s7, $0x17  }
0x33: {  	p0 =	por p0, p1  }
.Ltmp2:
0x34: {  	_ = 	snop;
	(pc) =	sbr.rel @p0 .LBB1_9-.Ltmp2, $1  }
0x35: {  	_ =	sdelay $0x3  }
0x36: {  	p0 =	sgt.s32 s15, $0x13;
	s16 =	smov.u32 s15  }
0x37: {  	s17 =	sshra.s32 s15, $0x1F;
	s18 =	ssub.s32 $0x0, s14;
	s30 =	ssub.s32 $0x0, s13  }
0x38: {  	s19 =	sshra.s32 s12, $0x1F;
	s16 =	simm.s32 @!p0 $0x13;
	s17 =	sand.u32 s17, s15  }
0x39: {  	s29 =	smin.u32 s14, s18;
	s18 =	smov.u32 s12;
	s16 =	ssub.s32 s16, s17  }
0x3a: {  	s19 =	sand.u32 s19, s12;
	p1 =	sgt.s32 s29, $0x1F;
	s17 =	sadd.s32 $0xFFFFFFED, s16  }
0x3b: {  	s16 =	ssub.s32 $0x15, s16;
	p0 =	sgt.s32 s17, $0x1;
	s17 =	ssub.s32 $0x20, s29  }
0x3c: {  	s16 =	simm.s32 @p0 $0x0;
	s17 =	simm.s32 @p1 $0x0;
	p0 =	sgt.s32 s12, $0x1F80  }
0x3d: {  	s16 =	smul.u32 s17, s16;
	s17 =	smin.u32 s13, s30;
	s18 =	simm.s32 @!p0 $0x1F80  }
0x3e: {  	p0 =	sgt.s32 s17, $0x1;
	s17 =	ssub.s32 $0x2, s17;
	s18 =	ssub.s32 s18, s19  }
0x3f: {  	s17 =	simm.s32 @p0 $0x0;
	s19 =	sadd.s32 $0xFFFFE080, s18  }
0x40: {  	s16 =	smul.u32 s17, s16;
	p0 =	sgt.s32 s19, $0x7F;
	s17 =	ssub.s32 $0x2000, s18  }
0x41: {  	s17 =	simm.s32 @p0 $0x0  }
0x42: {  	s16 =	smul.u32 s17, s16;
	_ =	sdelay $0x1  }
0x43: {  	s16 =	sand.u32 $0x3FFFFFFF, s16  }
0x44: {  	s31 =	sshll.u32 s7, $0xE;
	p1 =	por $0x1, $0x1;
	_ =	swait.ge [sflag:s3], s16  }
0x45: {  	s17 =	sand.u32 $0x4000, s31;
	s16 =	ssub.s32 $0x0, s16;
	[sflag:s3] =	ssyncset.done $0x0  }
0x46: {  	s18 =	simm.s32 $0x0;
	[sflag:s3] =	ssyncadd.s32 s16;
	s16 =	sor.u32 $0x8000, s17  }
.LBB1_3:
0x47: {  	s19 =	sshll.u32 s18, $0xD;
	s31 =	sshll.u32 s18, $0x7  }
0x48: {  	p0 =	por p1, p1;
	s19 =	sand.u32 $0x3FFFE000, s19;
	s20 =	sand.u32 $0x3FFFFF80, s31  }
0x49: {  	s18 =	sadd.s32 s19, s17;
	s19 =	sadd.s32 s20, s16;
	s20 =	simm.s32 $0x0  }
.LBB1_4:
0x4a: {  	s21 =	sshll.u32 s20, $0x8  }
0x4b: {  	s21 =	sand.u32 $0x3FFFFF00, s21  }
0x4c: {  	s22 =	sshll.u32 s20, $0x9;
	s23 =	sadd.s32 s21, s18  }
0x4d: {  	s22 =	sand.u32 $0x3FFFFE00, s22;
	v0 =	vmov s23  }
0x4e: {  	s22 =	sadd.s32 s22, s19  }
0x4f: {  	p1 =	por $0x1, $0x1;
	s21 =	simm.s32 $0x0;
	v1 =	vmov s22  }
.LBB1_5:
0x50: {  	s22 =	sshll.u32 s21, $0x7  }
0x51: {  	s22 =	sand.u32 $0x3FFFFF80, s22  }
0x52: {  	v2 =	vld.idx.msk [tilespmem:v0+s22+$0x0 ss:$0x1], $0xffff  }
0x53: {  	v3 =	vld.idx.msk [tilespmem:v0+s22+$0x10 ss:$0x1], $0xffff  }
0x54: {  	v4 =	vld.idx.msk [tilespmem:v0+s22+$0x20 ss:$0x1], $0xffff  }
0x55: {  	s31 =	sshll.u32 s21, $0x8;
	v5 =	vld.idx.msk [tilespmem:v0+s22+$0x30 ss:$0x1], $0xffff  }
0x56: {  	s21 =	sand.u32 $0x3FFFFF00, s31;
	v6 =	vld.idx.msk [tilespmem:v0+s22+$0x40 ss:$0x1], $0xffff  }
0x57: {  	v63 =	vld.idx.msk [tilespmem:v0+s22+$0x70 ss:$0x1], $0xffff;
	[tilespmem:v1+s21+$0x0 ss:$0x1] =	vst.idx.msk $0xffff, v2  }
0x58: {  	v2 =	vld.idx.msk [tilespmem:v0+s22+$0x50 ss:$0x1], $0xffff;
	[tilespmem:v1+s21+$0x10 ss:$0x1] =	vst.idx.msk $0xffff, v3  }
0x59: {  	p2 =	por p1, p1;
	v3 =	vld.idx.msk [tilespmem:v0+s22+$0x60 ss:$0x1], $0xffff;
	[tilespmem:v1+s21+$0x20 ss:$0x1] =	vst.idx.msk $0xffff, v4  }
.Ltmp3:
0x5a: {  	[tilespmem:v1+s21+$0x30 ss:$0x1] =	vst.idx.msk $0xffff, v5;
	(pc) =	sbr.rel @p2 .LBB1_5-.Ltmp3, $4  }
0x5b: {  	[tilespmem:v1+s21+$0x40 ss:$0x1] =	vst.idx.msk $0xffff, v6  }
0x5c: {  	[tilespmem:v1+s21+$0x70 ss:$0x1] =	vst.idx.msk $0xffff, v63  }
0x5d: {  	[tilespmem:v1+s21+$0x50 ss:$0x1] =	vst.idx.msk $0xffff, v2  }
0x5e: {  	p1 =	por $0x0, $0x0;
	[tilespmem:v1+s21+$0x60 ss:$0x1] =	vst.idx.msk $0xffff, v3;
	s21 =	simm.s32 $0x1  }
0x5f: {  	s20 =	sadd.s32 $0x1, s20  }
0x60: {  	p1 =	sne.s32 s20, $0x20  }
.Ltmp4:
0x61: {  	_ = 	snop;
	(pc) =	sbr.rel @p1 .LBB1_4-.Ltmp4, $1  }
0x62: {  	_ =	sdelay $0x3  }
.Ltmp5:
0x63: {  	(pc) =	sbr.rel @p0 .LBB1_3-.Ltmp5, $2  }
0x64: {  	_ =	sdelay $0x2  }
0x65: {  	s18 =	simm.s32 $0x1;
	p1 =	por $0x0, $0x0  }
0x66: {  	s17 =	sshll.u32 s15, $0xD  }
0x67: {  	s18 =	sshll.u32 s12, $0x3;
	s17 =	sand.u32 $0xFFFF0000, s17  }
0x68: {  	s17 =	sadd.s32 s17, s18  }
0x69: {  	s14 =	smul.u32 $0xC000, s14;
	s17 =	sshrl.u32 s17, $0xD  }
0x6a: {  	s29 =	sshll.u32 s15, $0x7;
	s20 =	sand.u32 $0x78, s12;
	s19 =	smulhi.u32 $0xAAAAAAB, s17  }
0x6b: {  	s13 =	smul.u32 $0x6000, s13;
	s30 =	sand.u32 $0x7, s12;
	s15 =	sand.u32 $0x380, s29  }
0x6c: {  	s15 =	sor.u32 s15, s20;
	s18 =	sand.u32 $0x1C00, s18;
	s19 =	smul.u32 $0x18, s19  }
.Ltmp6:
0x6d: {  	s14 =	sadd.s32 s4, s14;
	s15 =	sor.u32 s18, s15;
	(pc) =	sbr.rel .LBB1_9-.Ltmp6, $4  }
0x6e: {  	s13 =	sadd.s32 s13, s14;
	s15 =	sshrl.u32 s15, $0x3;
	s17 =	ssub.s32 s17, s19  }
0x6f: {  	s12 =	sshll.u32 s30, $0x12;
	s13 =	sadd.s32 s15, s13;
	s31 =	sshll.u32 s17, $0xA  }
0x70: {  	s12 =	sor.u32 $0x100, s12;
	s13 =	sadd.s32 s31, s13  }
0x71: {  	[hbm4b:s13+s12] =	stream.strided.scatter [tilespmem:s16], [sflag:$0x2], $0x4000, s6, s12, $0x38;
	[tilespmem:$0x10000] =	vst v63  }
.LBB1_10:
0x72: {  	_ =	sfence.sel $0x180000  }
0x73: {  	s2 =	simm.s32 $0x1;
	[bflag:$0x0] =	sbarrier.arrive $0xFFFF  }
0x74: {  	s31 =	simm.s32 $0x2;
	[sflag:s2] =	ssyncpa.u1 $0x1  }
0x75: {  	[sflag:s31] =	ssyncpa.u1 $0x1  }
0x76: {  	p0 =	sne.s32 s1, $0x0;
	_ =	strace $0x90000047  }
0x77: {  	s0 =	sadd.s32 @!p0 $0x100000, s0;
	[bflag:$0x2] =	sbarrier.arrive $0xFFFF  }
0x78: {  	[sflag:s0] =	ssyncadd.tile.s32 @!p0 $0x1;
	_ =	shalt  }
.Lfunc_end1:
_tile_overlayer_lowered:
.L_overlay_start_2:
0x79: {  	(tag) =	ssettag $0x2  }
0x7a: {  	s0 =	rddreg [dreg:$0x0];
	s2 =	stileid.u32  }
0x7b: {  	s1 =	rddreg [dreg:$0x1];
	p0 =	sne.s32 s2, $0x0  }
0x7c: {  	s3 =	rddreg [dreg:$0x2];
	[bflag:$0x3] =	sbarrier.arrive $0xFFFF;
	s2 =	simm.s32 @!p0 $0x1C01  }
0x7d: {  	[timem:s3], [sflag:s2] =	dma.local @!p0 [hbm:s0], s1  }
0x7e: {  	s0 =	simm.s32 @!p0 $0x1  }
0x7f: {  	_ =	swait.ge @!p0 [sflag:s0], s1  }
0x80: {  	s1 =	ssub.s32 @!p0 $0x0, s1;
	[sflag:s0] =	ssyncset.done @!p0 $0x0  }
0x81: {  	[sflag:s0] =	ssyncadd.s32 @!p0 s1  }
0x82: {  	[bflag:$0x3] =	sbarrier.arrive $0xFFFF  }
0x83: {  	_ =	shalt  }

</sc_bundles>
